<compile_context>
chip_gen: v7x
topology: tpu7x:2x2x1
jax: 0.10.2.dev20260603
libtpu: 0.0.44.dev20260713+nightly
codegen_flags: <defaults>
</compile_context>

<pallas_src>
import functools

import jax
import jax.numpy as jnp
from jax import lax
from jax.experimental import pallas as pl
from jax.experimental.pallas import tpu as pltpu
from jax.experimental.pallas import tpu_sc as plsc

DIM = 64
BATCH = 16384

_info = plsc.get_sparse_core_info()
_NC = _info.num_cores
_NS = _info.num_subcores
_NW = _NC * _NS
_BPW = BATCH // _NW
_CH = 128
_NCH = _BPW // _CH

_mesh = plsc.VectorSubcoreMesh(core_axis_name="c", subcore_axis_name="s")


@functools.partial(
    pl.kernel,
    mesh=_mesh,
    out_type=(
        jax.ShapeDtypeStruct((BATCH, DIM), jnp.float32),
        jax.ShapeDtypeStruct((BATCH, DIM), jnp.float32),
    ),
    scratch_types=[
        pltpu.VMEM((_BPW,), jnp.int32),
        pltpu.VMEM((_BPW, DIM), jnp.float32),
        pltpu.VMEM((_BPW, DIM), jnp.float32),
        pltpu.SemaphoreType.DMA,
        pltpu.SemaphoreType.DMA,
    ],
    compiler_params=pltpu.CompilerParams(use_tc_tiling_on_sc=False),
)
def _dual_gather(edge_hbm, node_hbm, feat_hbm, out_e, out_n,
                 idx_v, erows, nrows, sem_e, sem_n):
    wid = lax.axis_index("s") * _NC + lax.axis_index("c")
    base = wid * _BPW
    pltpu.sync_copy(feat_hbm.at[pl.ds(base, _BPW)], idx_v)
    copies = []
    for j in range(_NCH):
        sl = pl.ds(j * _CH, _CH)
        ce = pltpu.async_copy(edge_hbm.at[idx_v.at[sl]], erows.at[sl], sem_e)
        cn = pltpu.async_copy(node_hbm.at[idx_v.at[sl]], nrows.at[sl], sem_n)
        copies.append((ce, cn))
    for j, (ce, cn) in enumerate(copies):
        sl = pl.ds(j * _CH, _CH)
        out_sl = pl.ds(base + j * _CH, _CH)
        ce.wait()
        pltpu.sync_copy(erows.at[sl], out_e.at[out_sl])
        cn.wait()
        pltpu.sync_copy(nrows.at[sl], out_n.at[out_sl])


def kernel(edge_emb, node_emb, feat):
    return _dual_gather(edge_emb, node_emb, feat)

# --- scband reference (transcript-rebuilt; emitter-appended) ---
"""Pipeline reference for scband-mock-meta-learner-5248450035875 (READ-ONLY COPY).

The authoritative reference and input builder live on the scoring server;
editing this copy changes nothing except your own understanding.
"""

import jax, jax.numpy as jnp
import numpy as np
import math

NUM_ETYPES = 1000000
NUM_NTYPES = 1000000
DIM = 64
BATCH = 16384
PARAM_NAMES = ["edge_emb", "node_emb"]


def _init_bound(fan):
    gain = math.sqrt(2.0)  # relu gain
    std = gain / math.sqrt(fan)
    return math.sqrt(3.0) * std


def setup_inputs(seed: int = 0) -> dict:
    key = jax.random.key(seed)
    k1, k2, k3 = jax.random.split(key, 3)
    bound = _init_bound(DIM)
    edge_emb = jax.random.uniform(k1, (NUM_ETYPES, DIM), minval=-bound, maxval=bound, dtype=jnp.float32)
    node_emb = jax.random.uniform(k2, (NUM_NTYPES, DIM), minval=-bound, maxval=bound, dtype=jnp.float32)
    feat = jax.random.randint(k3, (BATCH,), 0, NUM_ETYPES, dtype=jnp.int32)
    return {"edge_emb": edge_emb, "node_emb": node_emb, "feat": feat}


def reference(edge_emb, node_emb, feat):
    # Faithful translation of MockMetaLearner.forward with
    # param_names = ["edge_emb", "node_emb"]:
    #   {name: getattr(self, name)[feat] for name in param_names}
    # Returned as a tuple in param_names order.
    out_edge = jnp.take(edge_emb, feat, axis=0)
    out_node = jnp.take(node_emb, feat, axis=0)
    return (out_edge, out_node)

if __name__ == "__main__":
    import jax
    _d = setup_inputs()
    print(jax.jit(kernel)(*tuple(_d.values())))

</pallas_src>

<mosaic_0001>
#map = affine_map<(d0, d1) -> (0, 0)>
#map1 = affine_map<(d0, d1) -> (0)>
module attributes {stable_mosaic.version = 14 : i64} {
  func.func @_dual_gather(%arg0: i32, %arg1: i32, %arg2: memref<1000000x64xf32, #tpu.memory_space<hbm>>, %arg3: memref<1000000x64xf32, #tpu.memory_space<hbm>>, %arg4: memref<16384xi32, #tpu.memory_space<hbm>>, %arg5: memref<16384x64xf32, #tpu.memory_space<hbm>>, %arg6: memref<16384x64xf32, #tpu.memory_space<hbm>>, %arg7: memref<512xi32, #tpu.memory_space<vmem>>, %arg8: memref<512x64xf32, #tpu.memory_space<vmem>>, %arg9: memref<512x64xf32, #tpu.memory_space<vmem>>, %arg10: memref<!tpu.dma_semaphore, #tpu.memory_space<semaphore_mem>>, %arg11: memref<!tpu.dma_semaphore, #tpu.memory_space<semaphore_mem>>) attributes {dimension_semantics = [#tpu.dimension_semantics<core_parallel>, #tpu.dimension_semantics<subcore_parallel>], iteration_bounds = array<i64: 2, 16>, scalar_prefetch = 0 : i64, scratch_operands = 5 : i64, tpu.core_type = #tpu.core_type<sc_vector_subcore>, window_params = [{transform_indices = #map}, {transform_indices = #map}, {transform_indices = #map1}, {transform_indices = #map}, {transform_indices = #map}]} {
    %mul3A = arith.constant 2 : i32
    %mul3A_0 = arith.muli %arg1, %mul3A : i32
    %add3A = arith.addi %mul3A_0, %arg0 : i32
    %mul3A_1 = arith.constant 512 : i32
    %mul3A_2 = arith.muli %add3A, %mul3A_1 : i32
    "tpu.region"() ({
      %run_scoped3A = tpu.sem_alloc : memref<!tpu.dma_semaphore, #tpu.memory_space<semaphore_mem>>
      %dma_start3A_137 = tpu.memref_slice %arg4[%mul3A_2] : memref<16384xi32, #tpu.memory_space<hbm>> -> memref<512xi32, #tpu.memory_space<hbm>>
      %dma_start3A_138 = tpu.memref_slice %arg4[%mul3A_2] : memref<16384xi32, #tpu.memory_space<hbm>> -> memref<512xi32, #tpu.memory_space<hbm>>
      tpu.enqueue_dma source(%dma_start3A_138 : memref<512xi32, #tpu.memory_space<hbm>>) target(%arg7 : memref<512xi32, #tpu.memory_space<vmem>>) target_semaphore(%run_scoped3A : memref<!tpu.dma_semaphore, #tpu.memory_space<semaphore_mem>>)
      %dma_wait3A_139 = tpu.memref_slice %arg4[%mul3A_2] : memref<16384xi32, #tpu.memory_space<hbm>> -> memref<512xi32, #tpu.memory_space<hbm>>
      %dma_wait3A_140 = tpu.memref_slice %arg4[%mul3A_2] : memref<16384xi32, #tpu.memory_space<hbm>> -> memref<512xi32, #tpu.memory_space<hbm>>
      tpu.wait_dma2 semaphore(%run_scoped3A : memref<!tpu.dma_semaphore, #tpu.memory_space<semaphore_mem>>) src(%dma_wait3A_140 : memref<512xi32, #tpu.memory_space<hbm>>) dst(%arg7 : memref<512xi32, #tpu.memory_space<vmem>>)
      tpu.yield
    }) : () -> ()
    %dma_start3A = arith.constant 0 : i32
    %dma_start3A_3 = arith.constant 0 : i32
    %dma_start3A_4 = tpu.memref_slice %arg8[%dma_start3A, %dma_start3A_3] : memref<512x64xf32, #tpu.memory_space<vmem>> -> memref<128x64xf32, #tpu.memory_space<vmem>>
    %dma_start3A_5 = arith.constant 0 : i32
    %dma_start3A_6 = tpu.memref_slice %arg7[%dma_start3A_5] : memref<512xi32, #tpu.memory_space<vmem>> -> memref<128xi32, #tpu.memory_space<vmem>>
    %dma_start3A_7 = arith.constant 0 : i32
    %dma_start3A_8 = arith.constant 0 : i32
    %dma_start3A_9 = tpu.memref_slice %arg2[%dma_start3A_7, %dma_start3A_8] : memref<1000000x64xf32, #tpu.memory_space<hbm>> -> memref<1000000x64xf32, #tpu.memory_space<hbm>>
    tpu.enqueue_indirect_dma source(%dma_start3A_9 : memref<1000000x64xf32, #tpu.memory_space<hbm>>) target(%dma_start3A_4 : memref<128x64xf32, #tpu.memory_space<vmem>>) offsets(%dma_start3A_6 : memref<128xi32, #tpu.memory_space<vmem>>) semaphore(%arg10 : memref<!tpu.dma_semaphore, #tpu.memory_space<semaphore_mem>>)
    %dma_start3A_10 = arith.constant 0 : i32
    %dma_start3A_11 = arith.constant 0 : i32
    %dma_start3A_12 = tpu.memref_slice %arg9[%dma_start3A_10, %dma_start3A_11] : memref<512x64xf32, #tpu.memory_space<vmem>> -> memref<128x64xf32, #tpu.memory_space<vmem>>
    %dma_start3A_13 = arith.constant 0 : i32
    %dma_start3A_14 = tpu.memref_slice %arg7[%dma_start3A_13] : memref<512xi32, #tpu.memory_space<vmem>> -> memref<128xi32, #tpu.memory_space<vmem>>
    %dma_start3A_15 = arith.constant 0 : i32
    %dma_start3A_16 = arith.constant 0 : i32
    %dma_start3A_17 = tpu.memref_slice %arg3[%dma_start3A_15, %dma_start3A_16] : memref<1000000x64xf32, #tpu.memory_space<hbm>> -> memref<1000000x64xf32, #tpu.memory_space<hbm>>
    tpu.enqueue_indirect_dma source(%dma_start3A_17 : memref<1000000x64xf32, #tpu.memory_space<hbm>>) target(%dma_start3A_12 : memref<128x64xf32, #tpu.memory_space<vmem>>) offsets(%dma_start3A_14 : memref<128xi32, #tpu.memory_space<vmem>>) semaphore(%arg11 : memref<!tpu.dma_semaphore, #tpu.memory_space<semaphore_mem>>)
    %dma_start3A_18 = arith.constant 128 : i32
    %dma_start3A_19 = arith.constant 0 : i32
    %dma_start3A_20 = tpu.memref_slice %arg8[%dma_start3A_18, %dma_start3A_19] : memref<512x64xf32, #tpu.memory_space<vmem>> -> memref<128x64xf32, #tpu.memory_space<vmem>>
    %dma_start3A_21 = arith.constant 128 : i32
    %dma_start3A_22 = tpu.memref_slice %arg7[%dma_start3A_21] : memref<512xi32, #tpu.memory_space<vmem>> -> memref<128xi32, #tpu.memory_space<vmem>>
    %dma_start3A_23 = arith.constant 0 : i32
    %dma_start3A_24 = arith.constant 0 : i32
    %dma_start3A_25 = tpu.memref_slice %arg2[%dma_start3A_23, %dma_start3A_24] : memref<1000000x64xf32, #tpu.memory_space<hbm>> -> memref<1000000x64xf32, #tpu.memory_space<hbm>>
    tpu.enqueue_indirect_dma source(%dma_start3A_25 : memref<1000000x64xf32, #tpu.memory_space<hbm>>) target(%dma_start3A_20 : memref<128x64xf32, #tpu.memory_space<vmem>>) offsets(%dma_start3A_22 : memref<128xi32, #tpu.memory_space<vmem>>) semaphore(%arg10 : memref<!tpu.dma_semaphore, #tpu.memory_space<semaphore_mem>>)
    %dma_start3A_26 = arith.constant 128 : i32
    %dma_start3A_27 = arith.constant 0 : i32
    %dma_start3A_28 = tpu.memref_slice %arg9[%dma_start3A_26, %dma_start3A_27] : memref<512x64xf32, #tpu.memory_space<vmem>> -> memref<128x64xf32, #tpu.memory_space<vmem>>
    %dma_start3A_29 = arith.constant 128 : i32
    %dma_start3A_30 = tpu.memref_slice %arg7[%dma_start3A_29] : memref<512xi32, #tpu.memory_space<vmem>> -> memref<128xi32, #tpu.memory_space<vmem>>
    %dma_start3A_31 = arith.constant 0 : i32
    %dma_start3A_32 = arith.constant 0 : i32
    %dma_start3A_33 = tpu.memref_slice %arg3[%dma_start3A_31, %dma_start3A_32] : memref<1000000x64xf32, #tpu.memory_space<hbm>> -> memref<1000000x64xf32, #tpu.memory_space<hbm>>
    tpu.enqueue_indirect_dma source(%dma_start3A_33 : memref<1000000x64xf32, #tpu.memory_space<hbm>>) target(%dma_start3A_28 : memref<128x64xf32, #tpu.memory_space<vmem>>) offsets(%dma_start3A_30 : memref<128xi32, #tpu.memory_space<vmem>>) semaphore(%arg11 : memref<!tpu.dma_semaphore, #tpu.memory_space<semaphore_mem>>)
    %dma_start3A_34 = arith.constant 256 : i32
    %dma_start3A_35 = arith.constant 0 : i32
    %dma_start3A_36 = tpu.memref_slice %arg8[%dma_start3A_34, %dma_start3A_35] : memref<512x64xf32, #tpu.memory_space<vmem>> -> memref<128x64xf32, #tpu.memory_space<vmem>>
    %dma_start3A_37 = arith.constant 256 : i32
    %dma_start3A_38 = tpu.memref_slice %arg7[%dma_start3A_37] : memref<512xi32, #tpu.memory_space<vmem>> -> memref<128xi32, #tpu.memory_space<vmem>>
    %dma_start3A_39 = arith.constant 0 : i32
    %dma_start3A_40 = arith.constant 0 : i32
    %dma_start3A_41 = tpu.memref_slice %arg2[%dma_start3A_39, %dma_start3A_40] : memref<1000000x64xf32, #tpu.memory_space<hbm>> -> memref<1000000x64xf32, #tpu.memory_space<hbm>>
    tpu.enqueue_indirect_dma source(%dma_start3A_41 : memref<1000000x64xf32, #tpu.memory_space<hbm>>) target(%dma_start3A_36 : memref<128x64xf32, #tpu.memory_space<vmem>>) offsets(%dma_start3A_38 : memref<128xi32, #tpu.memory_space<vmem>>) semaphore(%arg10 : memref<!tpu.dma_semaphore, #tpu.memory_space<semaphore_mem>>)
    %dma_start3A_42 = arith.constant 256 : i32
    %dma_start3A_43 = arith.constant 0 : i32
    %dma_start3A_44 = tpu.memref_slice %arg9[%dma_start3A_42, %dma_start3A_43] : memref<512x64xf32, #tpu.memory_space<vmem>> -> memref<128x64xf32, #tpu.memory_space<vmem>>
    %dma_start3A_45 = arith.constant 256 : i32
    %dma_start3A_46 = tpu.memref_slice %arg7[%dma_start3A_45] : memref<512xi32, #tpu.memory_space<vmem>> -> memref<128xi32, #tpu.memory_space<vmem>>
    %dma_start3A_47 = arith.constant 0 : i32
    %dma_start3A_48 = arith.constant 0 : i32
    %dma_start3A_49 = tpu.memref_slice %arg3[%dma_start3A_47, %dma_start3A_48] : memref<1000000x64xf32, #tpu.memory_space<hbm>> -> memref<1000000x64xf32, #tpu.memory_space<hbm>>
    tpu.enqueue_indirect_dma source(%dma_start3A_49 : memref<1000000x64xf32, #tpu.memory_space<hbm>>) target(%dma_start3A_44 : memref<128x64xf32, #tpu.memory_space<vmem>>) offsets(%dma_start3A_46 : memref<128xi32, #tpu.memory_space<vmem>>) semaphore(%arg11 : memref<!tpu.dma_semaphore, #tpu.memory_space<semaphore_mem>>)
    %dma_start3A_50 = arith.constant 384 : i32
    %dma_start3A_51 = arith.constant 0 : i32
    %dma_start3A_52 = tpu.memref_slice %arg8[%dma_start3A_50, %dma_start3A_51] : memref<512x64xf32, #tpu.memory_space<vmem>> -> memref<128x64xf32, #tpu.memory_space<vmem>>
    %dma_start3A_53 = arith.constant 384 : i32
    %dma_start3A_54 = tpu.memref_slice %arg7[%dma_start3A_53] : memref<512xi32, #tpu.memory_space<vmem>> -> memref<128xi32, #tpu.memory_space<vmem>>
    %dma_start3A_55 = arith.constant 0 : i32
    %dma_start3A_56 = arith.constant 0 : i32
    %dma_start3A_57 = tpu.memref_slice %arg2[%dma_start3A_55, %dma_start3A_56] : memref<1000000x64xf32, #tpu.memory_space<hbm>> -> memref<1000000x64xf32, #tpu.memory_space<hbm>>
    tpu.enqueue_indirect_dma source(%dma_start3A_57 : memref<1000000x64xf32, #tpu.memory_space<hbm>>) target(%dma_start3A_52 : memref<128x64xf32, #tpu.memory_space<vmem>>) offsets(%dma_start3A_54 : memref<128xi32, #tpu.memory_space<vmem>>) semaphore(%arg10 : memref<!tpu.dma_semaphore, #tpu.memory_space<semaphore_mem>>)
    %dma_start3A_58 = arith.constant 384 : i32
    %dma_start3A_59 = arith.constant 0 : i32
    %dma_start3A_60 = tpu.memref_slice %arg9[%dma_start3A_58, %dma_start3A_59] : memref<512x64xf32, #tpu.memory_space<vmem>> -> memref<128x64xf32, #tpu.memory_space<vmem>>
    %dma_start3A_61 = arith.constant 384 : i32
    %dma_start3A_62 = tpu.memref_slice %arg7[%dma_start3A_61] : memref<512xi32, #tpu.memory_space<vmem>> -> memref<128xi32, #tpu.memory_space<vmem>>
    %dma_start3A_63 = arith.constant 0 : i32
    %dma_start3A_64 = arith.constant 0 : i32
    %dma_start3A_65 = tpu.memref_slice %arg3[%dma_start3A_63, %dma_start3A_64] : memref<1000000x64xf32, #tpu.memory_space<hbm>> -> memref<1000000x64xf32, #tpu.memory_space<hbm>>
    tpu.enqueue_indirect_dma source(%dma_start3A_65 : memref<1000000x64xf32, #tpu.memory_space<hbm>>) target(%dma_start3A_60 : memref<128x64xf32, #tpu.memory_space<vmem>>) offsets(%dma_start3A_62 : memref<128xi32, #tpu.memory_space<vmem>>) semaphore(%arg11 : memref<!tpu.dma_semaphore, #tpu.memory_space<semaphore_mem>>)
    %add3A_66 = arith.constant 0 : i32
    %add3A_67 = arith.addi %mul3A_2, %add3A_66 : i32
    %dma_wait3A = arith.constant 0 : i32
    %dma_wait3A_68 = arith.constant 0 : i32
    %dma_wait3A_69 = tpu.memref_slice %arg8[%dma_wait3A, %dma_wait3A_68] : memref<512x64xf32, #tpu.memory_space<vmem>> -> memref<128x64xf32, #tpu.memory_space<vmem>>
    %dma_wait3A_70 = arith.constant 0 : i32
    %dma_wait3A_71 = tpu.memref_slice %arg7[%dma_wait3A_70] : memref<512xi32, #tpu.memory_space<vmem>> -> memref<128xi32, #tpu.memory_space<vmem>>
    %dma_wait3A_72 = arith.constant 0 : i32
    %dma_wait3A_73 = arith.constant 0 : i32
    %dma_wait3A_74 = tpu.memref_slice %arg2[%dma_wait3A_72, %dma_wait3A_73] : memref<1000000x64xf32, #tpu.memory_space<hbm>> -> memref<1000000x64xf32, #tpu.memory_space<hbm>>
    tpu.wait_indirect_dma semaphore(%arg10 : memref<!tpu.dma_semaphore, #tpu.memory_space<semaphore_mem>>) src(%dma_wait3A_74 : memref<1000000x64xf32, #tpu.memory_space<hbm>>) dst(%dma_wait3A_69 : memref<128x64xf32, #tpu.memory_space<vmem>>)
    "tpu.region"() ({
      %run_scoped3A = tpu.sem_alloc : memref<!tpu.dma_semaphore, #tpu.memory_space<semaphore_mem>>
      %dma_start3A_137 = arith.constant 0 : i32
      %dma_start3A_138 = arith.constant 0 : i32
      %dma_start3A_139 = tpu.memref_slice %arg8[%dma_start3A_137, %dma_start3A_138] : memref<512x64xf32, #tpu.memory_space<vmem>> -> memref<128x64xf32, #tpu.memory_space<vmem>>
      %dma_start3A_140 = arith.constant 0 : i32
      %dma_start3A_141 = tpu.memref_slice %arg5[%add3A_67, %dma_start3A_140] : memref<16384x64xf32, #tpu.memory_space<hbm>> -> memref<128x64xf32, #tpu.memory_space<hbm>>
      %dma_start3A_142 = arith.constant 0 : i32
      %dma_start3A_143 = tpu.memref_slice %arg5[%add3A_67, %dma_start3A_142] : memref<16384x64xf32, #tpu.memory_space<hbm>> -> memref<128x64xf32, #tpu.memory_space<hbm>>
      %dma_start3A_144 = arith.constant 0 : i32
      %dma_start3A_145 = arith.constant 0 : i32
      %dma_start3A_146 = tpu.memref_slice %arg8[%dma_start3A_144, %dma_start3A_145] : memref<512x64xf32, #tpu.memory_space<vmem>> -> memref<128x64xf32, #tpu.memory_space<vmem>>
      tpu.enqueue_dma source(%dma_start3A_146 : memref<128x64xf32, #tpu.memory_space<vmem>>) target(%dma_start3A_143 : memref<128x64xf32, #tpu.memory_space<hbm>>) target_semaphore(%run_scoped3A : memref<!tpu.dma_semaphore, #tpu.memory_space<semaphore_mem>>)
      %dma_wait3A_147 = arith.constant 0 : i32
      %dma_wait3A_148 = arith.constant 0 : i32
      %dma_wait3A_149 = tpu.memref_slice %arg8[%dma_wait3A_147, %dma_wait3A_148] : memref<512x64xf32, #tpu.memory_space<vmem>> -> memref<128x64xf32, #tpu.memory_space<vmem>>
      %dma_wait3A_150 = arith.constant 0 : i32
      %dma_wait3A_151 = tpu.memref_slice %arg5[%add3A_67, %dma_wait3A_150] : memref<16384x64xf32, #tpu.memory_space<hbm>> -> memref<128x64xf32, #tpu.memory_space<hbm>>
      %dma_wait3A_152 = arith.constant 0 : i32
      %dma_wait3A_153 = tpu.memref_slice %arg5[%add3A_67, %dma_wait3A_152] : memref<16384x64xf32, #tpu.memory_space<hbm>> -> memref<128x64xf32, #tpu.memory_space<hbm>>
      %dma_wait3A_154 = arith.constant 0 : i32
      %dma_wait3A_155 = arith.constant 0 : i32
      %dma_wait3A_156 = tpu.memref_slice %arg8[%dma_wait3A_154, %dma_wait3A_155] : memref<512x64xf32, #tpu.memory_space<vmem>> -> memref<128x64xf32, #tpu.memory_space<vmem>>
      tpu.wait_dma2 semaphore(%run_scoped3A : memref<!tpu.dma_semaphore, #tpu.memory_space<semaphore_mem>>) src(%dma_wait3A_156 : memref<128x64xf32, #tpu.memory_space<vmem>>) dst(%dma_wait3A_153 : memref<128x64xf32, #tpu.memory_space<hbm>>)
      tpu.yield
    }) : () -> ()
    %dma_wait3A_75 = arith.constant 0 : i32
    %dma_wait3A_76 = arith.constant 0 : i32
    %dma_wait3A_77 = tpu.memref_slice %arg9[%dma_wait3A_75, %dma_wait3A_76] : memref<512x64xf32, #tpu.memory_space<vmem>> -> memref<128x64xf32, #tpu.memory_space<vmem>>
    %dma_wait3A_78 = arith.constant 0 : i32
    %dma_wait3A_79 = tpu.memref_slice %arg7[%dma_wait3A_78] : memref<512xi32, #tpu.memory_space<vmem>> -> memref<128xi32, #tpu.memory_space<vmem>>
    %dma_wait3A_80 = arith.constant 0 : i32
    %dma_wait3A_81 = arith.constant 0 : i32
    %dma_wait3A_82 = tpu.memref_slice %arg3[%dma_wait3A_80, %dma_wait3A_81] : memref<1000000x64xf32, #tpu.memory_space<hbm>> -> memref<1000000x64xf32, #tpu.memory_space<hbm>>
    tpu.wait_indirect_dma semaphore(%arg11 : memref<!tpu.dma_semaphore, #tpu.memory_space<semaphore_mem>>) src(%dma_wait3A_82 : memref<1000000x64xf32, #tpu.memory_space<hbm>>) dst(%dma_wait3A_77 : memref<128x64xf32, #tpu.memory_space<vmem>>)
    "tpu.region"() ({
      %run_scoped3A = tpu.sem_alloc : memref<!tpu.dma_semaphore, #tpu.memory_space<semaphore_mem>>
      %dma_start3A_137 = arith.constant 0 : i32
      %dma_start3A_138 = arith.constant 0 : i32
      %dma_start3A_139 = tpu.memref_slice %arg9[%dma_start3A_137, %dma_start3A_138] : memref<512x64xf32, #tpu.memory_space<vmem>> -> memref<128x64xf32, #tpu.memory_space<vmem>>
      %dma_start3A_140 = arith.constant 0 : i32
      %dma_start3A_141 = tpu.memref_slice %arg6[%add3A_67, %dma_start3A_140] : memref<16384x64xf32, #tpu.memory_space<hbm>> -> memref<128x64xf32, #tpu.memory_space<hbm>>
      %dma_start3A_142 = arith.constant 0 : i32
      %dma_start3A_143 = tpu.memref_slice %arg6[%add3A_67, %dma_start3A_142] : memref<16384x64xf32, #tpu.memory_space<hbm>> -> memref<128x64xf32, #tpu.memory_space<hbm>>
      %dma_start3A_144 = arith.constant 0 : i32
      %dma_start3A_145 = arith.constant 0 : i32
      %dma_start3A_146 = tpu.memref_slice %arg9[%dma_start3A_144, %dma_start3A_145] : memref<512x64xf32, #tpu.memory_space<vmem>> -> memref<128x64xf32, #tpu.memory_space<vmem>>
      tpu.enqueue_dma source(%dma_start3A_146 : memref<128x64xf32, #tpu.memory_space<vmem>>) target(%dma_start3A_143 : memref<128x64xf32, #tpu.memory_space<hbm>>) target_semaphore(%run_scoped3A : memref<!tpu.dma_semaphore, #tpu.memory_space<semaphore_mem>>)
      %dma_wait3A_147 = arith.constant 0 : i32
      %dma_wait3A_148 = arith.constant 0 : i32
      %dma_wait3A_149 = tpu.memref_slice %arg9[%dma_wait3A_147, %dma_wait3A_148] : memref<512x64xf32, #tpu.memory_space<vmem>> -> memref<128x64xf32, #tpu.memory_space<vmem>>
      %dma_wait3A_150 = arith.constant 0 : i32
      %dma_wait3A_151 = tpu.memref_slice %arg6[%add3A_67, %dma_wait3A_150] : memref<16384x64xf32, #tpu.memory_space<hbm>> -> memref<128x64xf32, #tpu.memory_space<hbm>>
      %dma_wait3A_152 = arith.constant 0 : i32
      %dma_wait3A_153 = tpu.memref_slice %arg6[%add3A_67, %dma_wait3A_152] : memref<16384x64xf32, #tpu.memory_space<hbm>> -> memref<128x64xf32, #tpu.memory_space<hbm>>
      %dma_wait3A_154 = arith.constant 0 : i32
      %dma_wait3A_155 = arith.constant 0 : i32
      %dma_wait3A_156 = tpu.memref_slice %arg9[%dma_wait3A_154, %dma_wait3A_155] : memref<512x64xf32, #tpu.memory_space<vmem>> -> memref<128x64xf32, #tpu.memory_space<vmem>>
      tpu.wait_dma2 semaphore(%run_scoped3A : memref<!tpu.dma_semaphore, #tpu.memory_space<semaphore_mem>>) src(%dma_wait3A_156 : memref<128x64xf32, #tpu.memory_space<vmem>>) dst(%dma_wait3A_153 : memref<128x64xf32, #tpu.memory_space<hbm>>)
      tpu.yield
    }) : () -> ()
    %add3A_83 = arith.constant 128 : i32
    %add3A_84 = arith.addi %mul3A_2, %add3A_83 : i32
    %dma_wait3A_85 = arith.constant 128 : i32
    %dma_wait3A_86 = arith.constant 0 : i32
    %dma_wait3A_87 = tpu.memref_slice %arg8[%dma_wait3A_85, %dma_wait3A_86] : memref<512x64xf32, #tpu.memory_space<vmem>> -> memref<128x64xf32, #tpu.memory_space<vmem>>
    %dma_wait3A_88 = arith.constant 128 : i32
    %dma_wait3A_89 = tpu.memref_slice %arg7[%dma_wait3A_88] : memref<512xi32, #tpu.memory_space<vmem>> -> memref<128xi32, #tpu.memory_space<vmem>>
    %dma_wait3A_90 = arith.constant 0 : i32
    %dma_wait3A_91 = arith.constant 0 : i32
    %dma_wait3A_92 = tpu.memref_slice %arg2[%dma_wait3A_90, %dma_wait3A_91] : memref<1000000x64xf32, #tpu.memory_space<hbm>> -> memref<1000000x64xf32, #tpu.memory_space<hbm>>
    tpu.wait_indirect_dma semaphore(%arg10 : memref<!tpu.dma_semaphore, #tpu.memory_space<semaphore_mem>>) src(%dma_wait3A_92 : memref<1000000x64xf32, #tpu.memory_space<hbm>>) dst(%dma_wait3A_87 : memref<128x64xf32, #tpu.memory_space<vmem>>)
    "tpu.region"() ({
      %run_scoped3A = tpu.sem_alloc : memref<!tpu.dma_semaphore, #tpu.memory_space<semaphore_mem>>
      %dma_start3A_137 = arith.constant 128 : i32
      %dma_start3A_138 = arith.constant 0 : i32
      %dma_start3A_139 = tpu.memref_slice %arg8[%dma_start3A_137, %dma_start3A_138] : memref<512x64xf32, #tpu.memory_space<vmem>> -> memref<128x64xf32, #tpu.memory_space<vmem>>
      %dma_start3A_140 = arith.constant 0 : i32
      %dma_start3A_141 = tpu.memref_slice %arg5[%add3A_84, %dma_start3A_140] : memref<16384x64xf32, #tpu.memory_space<hbm>> -> memref<128x64xf32, #tpu.memory_space<hbm>>
      %dma_start3A_142 = arith.constant 0 : i32
      %dma_start3A_143 = tpu.memref_slice %arg5[%add3A_84, %dma_start3A_142] : memref<16384x64xf32, #tpu.memory_space<hbm>> -> memref<128x64xf32, #tpu.memory_space<hbm>>
      %dma_start3A_144 = arith.constant 128 : i32
      %dma_start3A_145 = arith.constant 0 : i32
      %dma_start3A_146 = tpu.memref_slice %arg8[%dma_start3A_144, %dma_start3A_145] : memref<512x64xf32, #tpu.memory_space<vmem>> -> memref<128x64xf32, #tpu.memory_space<vmem>>
      tpu.enqueue_dma source(%dma_start3A_146 : memref<128x64xf32, #tpu.memory_space<vmem>>) target(%dma_start3A_143 : memref<128x64xf32, #tpu.memory_space<hbm>>) target_semaphore(%run_scoped3A : memref<!tpu.dma_semaphore, #tpu.memory_space<semaphore_mem>>)
      %dma_wait3A_147 = arith.constant 128 : i32
      %dma_wait3A_148 = arith.constant 0 : i32
      %dma_wait3A_149 = tpu.memref_slice %arg8[%dma_wait3A_147, %dma_wait3A_148] : memref<512x64xf32, #tpu.memory_space<vmem>> -> memref<128x64xf32, #tpu.memory_space<vmem>>
      %dma_wait3A_150 = arith.constant 0 : i32
      %dma_wait3A_151 = tpu.memref_slice %arg5[%add3A_84, %dma_wait3A_150] : memref<16384x64xf32, #tpu.memory_space<hbm>> -> memref<128x64xf32, #tpu.memory_space<hbm>>
      %dma_wait3A_152 = arith.constant 0 : i32
      %dma_wait3A_153 = tpu.memref_slice %arg5[%add3A_84, %dma_wait3A_152] : memref<16384x64xf32, #tpu.memory_space<hbm>> -> memref<128x64xf32, #tpu.memory_space<hbm>>
      %dma_wait3A_154 = arith.constant 128 : i32
      %dma_wait3A_155 = arith.constant 0 : i32
      %dma_wait3A_156 = tpu.memref_slice %arg8[%dma_wait3A_154, %dma_wait3A_155] : memref<512x64xf32, #tpu.memory_space<vmem>> -> memref<128x64xf32, #tpu.memory_space<vmem>>
      tpu.wait_dma2 semaphore(%run_scoped3A : memref<!tpu.dma_semaphore, #tpu.memory_space<semaphore_mem>>) src(%dma_wait3A_156 : memref<128x64xf32, #tpu.memory_space<vmem>>) dst(%dma_wait3A_153 : memref<128x64xf32, #tpu.memory_space<hbm>>)
      tpu.yield
    }) : () -> ()
    %dma_wait3A_93 = arith.constant 128 : i32
    %dma_wait3A_94 = arith.constant 0 : i32
    %dma_wait3A_95 = tpu.memref_slice %arg9[%dma_wait3A_93, %dma_wait3A_94] : memref<512x64xf32, #tpu.memory_space<vmem>> -> memref<128x64xf32, #tpu.memory_space<vmem>>
    %dma_wait3A_96 = arith.constant 128 : i32
    %dma_wait3A_97 = tpu.memref_slice %arg7[%dma_wait3A_96] : memref<512xi32, #tpu.memory_space<vmem>> -> memref<128xi32, #tpu.memory_space<vmem>>
    %dma_wait3A_98 = arith.constant 0 : i32
    %dma_wait3A_99 = arith.constant 0 : i32
    %dma_wait3A_100 = tpu.memref_slice %arg3[%dma_wait3A_98, %dma_wait3A_99] : memref<1000000x64xf32, #tpu.memory_space<hbm>> -> memref<1000000x64xf32, #tpu.memory_space<hbm>>
    tpu.wait_indirect_dma semaphore(%arg11 : memref<!tpu.dma_semaphore, #tpu.memory_space<semaphore_mem>>) src(%dma_wait3A_100 : memref<1000000x64xf32, #tpu.memory_space<hbm>>) dst(%dma_wait3A_95 : memref<128x64xf32, #tpu.memory_space<vmem>>)
    "tpu.region"() ({
      %run_scoped3A = tpu.sem_alloc : memref<!tpu.dma_semaphore, #tpu.memory_space<semaphore_mem>>
      %dma_start3A_137 = arith.constant 128 : i32
      %dma_start3A_138 = arith.constant 0 : i32
      %dma_start3A_139 = tpu.memref_slice %arg9[%dma_start3A_137, %dma_start3A_138] : memref<512x64xf32, #tpu.memory_space<vmem>> -> memref<128x64xf32, #tpu.memory_space<vmem>>
      %dma_start3A_140 = arith.constant 0 : i32
      %dma_start3A_141 = tpu.memref_slice %arg6[%add3A_84, %dma_start3A_140] : memref<16384x64xf32, #tpu.memory_space<hbm>> -> memref<128x64xf32, #tpu.memory_space<hbm>>
      %dma_start3A_142 = arith.constant 0 : i32
      %dma_start3A_143 = tpu.memref_slice %arg6[%add3A_84, %dma_start3A_142] : memref<16384x64xf32, #tpu.memory_space<hbm>> -> memref<128x64xf32, #tpu.memory_space<hbm>>
      %dma_start3A_144 = arith.constant 128 : i32
      %dma_start3A_145 = arith.constant 0 : i32
      %dma_start3A_146 = tpu.memref_slice %arg9[%dma_start3A_144, %dma_start3A_145] : memref<512x64xf32, #tpu.memory_space<vmem>> -> memref<128x64xf32, #tpu.memory_space<vmem>>
      tpu.enqueue_dma source(%dma_start3A_146 : memref<128x64xf32, #tpu.memory_space<vmem>>) target(%dma_start3A_143 : memref<128x64xf32, #tpu.memory_space<hbm>>) target_semaphore(%run_scoped3A : memref<!tpu.dma_semaphore, #tpu.memory_space<semaphore_mem>>)
      %dma_wait3A_147 = arith.constant 128 : i32
      %dma_wait3A_148 = arith.constant 0 : i32
      %dma_wait3A_149 = tpu.memref_slice %arg9[%dma_wait3A_147, %dma_wait3A_148] : memref<512x64xf32, #tpu.memory_space<vmem>> -> memref<128x64xf32, #tpu.memory_space<vmem>>
      %dma_wait3A_150 = arith.constant 0 : i32
      %dma_wait3A_151 = tpu.memref_slice %arg6[%add3A_84, %dma_wait3A_150] : memref<16384x64xf32, #tpu.memory_space<hbm>> -> memref<128x64xf32, #tpu.memory_space<hbm>>
      %dma_wait3A_152 = arith.constant 0 : i32
      %dma_wait3A_153 = tpu.memref_slice %arg6[%add3A_84, %dma_wait3A_152] : memref<16384x64xf32, #tpu.memory_space<hbm>> -> memref<128x64xf32, #tpu.memory_space<hbm>>
      %dma_wait3A_154 = arith.constant 128 : i32
      %dma_wait3A_155 = arith.constant 0 : i32
      %dma_wait3A_156 = tpu.memref_slice %arg9[%dma_wait3A_154, %dma_wait3A_155] : memref<512x64xf32, #tpu.memory_space<vmem>> -> memref<128x64xf32, #tpu.memory_space<vmem>>
      tpu.wait_dma2 semaphore(%run_scoped3A : memref<!tpu.dma_semaphore, #tpu.memory_space<semaphore_mem>>) src(%dma_wait3A_156 : memref<128x64xf32, #tpu.memory_space<vmem>>) dst(%dma_wait3A_153 : memref<128x64xf32, #tpu.memory_space<hbm>>)
      tpu.yield
    }) : () -> ()
    %add3A_101 = arith.constant 256 : i32
    %add3A_102 = arith.addi %mul3A_2, %add3A_101 : i32
    %dma_wait3A_103 = arith.constant 256 : i32
    %dma_wait3A_104 = arith.constant 0 : i32
    %dma_wait3A_105 = tpu.memref_slice %arg8[%dma_wait3A_103, %dma_wait3A_104] : memref<512x64xf32, #tpu.memory_space<vmem>> -> memref<128x64xf32, #tpu.memory_space<vmem>>
    %dma_wait3A_106 = arith.constant 256 : i32
    %dma_wait3A_107 = tpu.memref_slice %arg7[%dma_wait3A_106] : memref<512xi32, #tpu.memory_space<vmem>> -> memref<128xi32, #tpu.memory_space<vmem>>
    %dma_wait3A_108 = arith.constant 0 : i32
    %dma_wait3A_109 = arith.constant 0 : i32
    %dma_wait3A_110 = tpu.memref_slice %arg2[%dma_wait3A_108, %dma_wait3A_109] : memref<1000000x64xf32, #tpu.memory_space<hbm>> -> memref<1000000x64xf32, #tpu.memory_space<hbm>>
    tpu.wait_indirect_dma semaphore(%arg10 : memref<!tpu.dma_semaphore, #tpu.memory_space<semaphore_mem>>) src(%dma_wait3A_110 : memref<1000000x64xf32, #tpu.memory_space<hbm>>) dst(%dma_wait3A_105 : memref<128x64xf32, #tpu.memory_space<vmem>>)
    "tpu.region"() ({
      %run_scoped3A = tpu.sem_alloc : memref<!tpu.dma_semaphore, #tpu.memory_space<semaphore_mem>>
      %dma_start3A_137 = arith.constant 256 : i32
      %dma_start3A_138 = arith.constant 0 : i32
      %dma_start3A_139 = tpu.memref_slice %arg8[%dma_start3A_137, %dma_start3A_138] : memref<512x64xf32, #tpu.memory_space<vmem>> -> memref<128x64xf32, #tpu.memory_space<vmem>>
      %dma_start3A_140 = arith.constant 0 : i32
      %dma_start3A_141 = tpu.memref_slice %arg5[%add3A_102, %dma_start3A_140] : memref<16384x64xf32, #tpu.memory_space<hbm>> -> memref<128x64xf32, #tpu.memory_space<hbm>>
      %dma_start3A_142 = arith.constant 0 : i32
      %dma_start3A_143 = tpu.memref_slice %arg5[%add3A_102, %dma_start3A_142] : memref<16384x64xf32, #tpu.memory_space<hbm>> -> memref<128x64xf32, #tpu.memory_space<hbm>>
      %dma_start3A_144 = arith.constant 256 : i32
      %dma_start3A_145 = arith.constant 0 : i32
      %dma_start3A_146 = tpu.memref_slice %arg8[%dma_start3A_144, %dma_start3A_145] : memref<512x64xf32, #tpu.memory_space<vmem>> -> memref<128x64xf32, #tpu.memory_space<vmem>>
      tpu.enqueue_dma source(%dma_start3A_146 : memref<128x64xf32, #tpu.memory_space<vmem>>) target(%dma_start3A_143 : memref<128x64xf32, #tpu.memory_space<hbm>>) target_semaphore(%run_scoped3A : memref<!tpu.dma_semaphore, #tpu.memory_space<semaphore_mem>>)
      %dma_wait3A_147 = arith.constant 256 : i32
      %dma_wait3A_148 = arith.constant 0 : i32
      %dma_wait3A_149 = tpu.memref_slice %arg8[%dma_wait3A_147, %dma_wait3A_148] : memref<512x64xf32, #tpu.memory_space<vmem>> -> memref<128x64xf32, #tpu.memory_space<vmem>>
      %dma_wait3A_150 = arith.constant 0 : i32
      %dma_wait3A_151 = tpu.memref_slice %arg5[%add3A_102, %dma_wait3A_150] : memref<16384x64xf32, #tpu.memory_space<hbm>> -> memref<128x64xf32, #tpu.memory_space<hbm>>
      %dma_wait3A_152 = arith.constant 0 : i32
      %dma_wait3A_153 = tpu.memref_slice %arg5[%add3A_102, %dma_wait3A_152] : memref<16384x64xf32, #tpu.memory_space<hbm>> -> memref<128x64xf32, #tpu.memory_space<hbm>>
      %dma_wait3A_154 = arith.constant 256 : i32
      %dma_wait3A_155 = arith.constant 0 : i32
      %dma_wait3A_156 = tpu.memref_slice %arg8[%dma_wait3A_154, %dma_wait3A_155] : memref<512x64xf32, #tpu.memory_space<vmem>> -> memref<128x64xf32, #tpu.memory_space<vmem>>
      tpu.wait_dma2 semaphore(%run_scoped3A : memref<!tpu.dma_semaphore, #tpu.memory_space<semaphore_mem>>) src(%dma_wait3A_156 : memref<128x64xf32, #tpu.memory_space<vmem>>) dst(%dma_wait3A_153 : memref<128x64xf32, #tpu.memory_space<hbm>>)
      tpu.yield
    }) : () -> ()
    %dma_wait3A_111 = arith.constant 256 : i32
    %dma_wait3A_112 = arith.constant 0 : i32
    %dma_wait3A_113 = tpu.memref_slice %arg9[%dma_wait3A_111, %dma_wait3A_112] : memref<512x64xf32, #tpu.memory_space<vmem>> -> memref<128x64xf32, #tpu.memory_space<vmem>>
    %dma_wait3A_114 = arith.constant 256 : i32
    %dma_wait3A_115 = tpu.memref_slice %arg7[%dma_wait3A_114] : memref<512xi32, #tpu.memory_space<vmem>> -> memref<128xi32, #tpu.memory_space<vmem>>
    %dma_wait3A_116 = arith.constant 0 : i32
    %dma_wait3A_117 = arith.constant 0 : i32
    %dma_wait3A_118 = tpu.memref_slice %arg3[%dma_wait3A_116, %dma_wait3A_117] : memref<1000000x64xf32, #tpu.memory_space<hbm>> -> memref<1000000x64xf32, #tpu.memory_space<hbm>>
    tpu.wait_indirect_dma semaphore(%arg11 : memref<!tpu.dma_semaphore, #tpu.memory_space<semaphore_mem>>) src(%dma_wait3A_118 : memref<1000000x64xf32, #tpu.memory_space<hbm>>) dst(%dma_wait3A_113 : memref<128x64xf32, #tpu.memory_space<vmem>>)
    "tpu.region"() ({
      %run_scoped3A = tpu.sem_alloc : memref<!tpu.dma_semaphore, #tpu.memory_space<semaphore_mem>>
      %dma_start3A_137 = arith.constant 256 : i32
      %dma_start3A_138 = arith.constant 0 : i32
      %dma_start3A_139 = tpu.memref_slice %arg9[%dma_start3A_137, %dma_start3A_138] : memref<512x64xf32, #tpu.memory_space<vmem>> -> memref<128x64xf32, #tpu.memory_space<vmem>>
      %dma_start3A_140 = arith.constant 0 : i32
      %dma_start3A_141 = tpu.memref_slice %arg6[%add3A_102, %dma_start3A_140] : memref<16384x64xf32, #tpu.memory_space<hbm>> -> memref<128x64xf32, #tpu.memory_space<hbm>>
      %dma_start3A_142 = arith.constant 0 : i32
      %dma_start3A_143 = tpu.memref_slice %arg6[%add3A_102, %dma_start3A_142] : memref<16384x64xf32, #tpu.memory_space<hbm>> -> memref<128x64xf32, #tpu.memory_space<hbm>>
      %dma_start3A_144 = arith.constant 256 : i32
      %dma_start3A_145 = arith.constant 0 : i32
      %dma_start3A_146 = tpu.memref_slice %arg9[%dma_start3A_144, %dma_start3A_145] : memref<512x64xf32, #tpu.memory_space<vmem>> -> memref<128x64xf32, #tpu.memory_space<vmem>>
      tpu.enqueue_dma source(%dma_start3A_146 : memref<128x64xf32, #tpu.memory_space<vmem>>) target(%dma_start3A_143 : memref<128x64xf32, #tpu.memory_space<hbm>>) target_semaphore(%run_scoped3A : memref<!tpu.dma_semaphore, #tpu.memory_space<semaphore_mem>>)
      %dma_wait3A_147 = arith.constant 256 : i32
      %dma_wait3A_148 = arith.constant 0 : i32
      %dma_wait3A_149 = tpu.memref_slice %arg9[%dma_wait3A_147, %dma_wait3A_148] : memref<512x64xf32, #tpu.memory_space<vmem>> -> memref<128x64xf32, #tpu.memory_space<vmem>>
      %dma_wait3A_150 = arith.constant 0 : i32
      %dma_wait3A_151 = tpu.memref_slice %arg6[%add3A_102, %dma_wait3A_150] : memref<16384x64xf32, #tpu.memory_space<hbm>> -> memref<128x64xf32, #tpu.memory_space<hbm>>
      %dma_wait3A_152 = arith.constant 0 : i32
      %dma_wait3A_153 = tpu.memref_slice %arg6[%add3A_102, %dma_wait3A_152] : memref<16384x64xf32, #tpu.memory_space<hbm>> -> memref<128x64xf32, #tpu.memory_space<hbm>>
      %dma_wait3A_154 = arith.constant 256 : i32
      %dma_wait3A_155 = arith.constant 0 : i32
      %dma_wait3A_156 = tpu.memref_slice %arg9[%dma_wait3A_154, %dma_wait3A_155] : memref<512x64xf32, #tpu.memory_space<vmem>> -> memref<128x64xf32, #tpu.memory_space<vmem>>
      tpu.wait_dma2 semaphore(%run_scoped3A : memref<!tpu.dma_semaphore, #tpu.memory_space<semaphore_mem>>) src(%dma_wait3A_156 : memref<128x64xf32, #tpu.memory_space<vmem>>) dst(%dma_wait3A_153 : memref<128x64xf32, #tpu.memory_space<hbm>>)
      tpu.yield
    }) : () -> ()
    %add3A_119 = arith.constant 384 : i32
    %add3A_120 = arith.addi %mul3A_2, %add3A_119 : i32
    %dma_wait3A_121 = arith.constant 384 : i32
    %dma_wait3A_122 = arith.constant 0 : i32
    %dma_wait3A_123 = tpu.memref_slice %arg8[%dma_wait3A_121, %dma_wait3A_122] : memref<512x64xf32, #tpu.memory_space<vmem>> -> memref<128x64xf32, #tpu.memory_space<vmem>>
    %dma_wait3A_124 = arith.constant 384 : i32
    %dma_wait3A_125 = tpu.memref_slice %arg7[%dma_wait3A_124] : memref<512xi32, #tpu.memory_space<vmem>> -> memref<128xi32, #tpu.memory_space<vmem>>
    %dma_wait3A_126 = arith.constant 0 : i32
    %dma_wait3A_127 = arith.constant 0 : i32
    %dma_wait3A_128 = tpu.memref_slice %arg2[%dma_wait3A_126, %dma_wait3A_127] : memref<1000000x64xf32, #tpu.memory_space<hbm>> -> memref<1000000x64xf32, #tpu.memory_space<hbm>>
    tpu.wait_indirect_dma semaphore(%arg10 : memref<!tpu.dma_semaphore, #tpu.memory_space<semaphore_mem>>) src(%dma_wait3A_128 : memref<1000000x64xf32, #tpu.memory_space<hbm>>) dst(%dma_wait3A_123 : memref<128x64xf32, #tpu.memory_space<vmem>>)
    "tpu.region"() ({
      %run_scoped3A = tpu.sem_alloc : memref<!tpu.dma_semaphore, #tpu.memory_space<semaphore_mem>>
      %dma_start3A_137 = arith.constant 384 : i32
      %dma_start3A_138 = arith.constant 0 : i32
      %dma_start3A_139 = tpu.memref_slice %arg8[%dma_start3A_137, %dma_start3A_138] : memref<512x64xf32, #tpu.memory_space<vmem>> -> memref<128x64xf32, #tpu.memory_space<vmem>>
      %dma_start3A_140 = arith.constant 0 : i32
      %dma_start3A_141 = tpu.memref_slice %arg5[%add3A_120, %dma_start3A_140] : memref<16384x64xf32, #tpu.memory_space<hbm>> -> memref<128x64xf32, #tpu.memory_space<hbm>>
      %dma_start3A_142 = arith.constant 0 : i32
      %dma_start3A_143 = tpu.memref_slice %arg5[%add3A_120, %dma_start3A_142] : memref<16384x64xf32, #tpu.memory_space<hbm>> -> memref<128x64xf32, #tpu.memory_space<hbm>>
      %dma_start3A_144 = arith.constant 384 : i32
      %dma_start3A_145 = arith.constant 0 : i32
      %dma_start3A_146 = tpu.memref_slice %arg8[%dma_start3A_144, %dma_start3A_145] : memref<512x64xf32, #tpu.memory_space<vmem>> -> memref<128x64xf32, #tpu.memory_space<vmem>>
      tpu.enqueue_dma source(%dma_start3A_146 : memref<128x64xf32, #tpu.memory_space<vmem>>) target(%dma_start3A_143 : memref<128x64xf32, #tpu.memory_space<hbm>>) target_semaphore(%run_scoped3A : memref<!tpu.dma_semaphore, #tpu.memory_space<semaphore_mem>>)
      %dma_wait3A_147 = arith.constant 384 : i32
      %dma_wait3A_148 = arith.constant 0 : i32
      %dma_wait3A_149 = tpu.memref_slice %arg8[%dma_wait3A_147, %dma_wait3A_148] : memref<512x64xf32, #tpu.memory_space<vmem>> -> memref<128x64xf32, #tpu.memory_space<vmem>>
      %dma_wait3A_150 = arith.constant 0 : i32
      %dma_wait3A_151 = tpu.memref_slice %arg5[%add3A_120, %dma_wait3A_150] : memref<16384x64xf32, #tpu.memory_space<hbm>> -> memref<128x64xf32, #tpu.memory_space<hbm>>
      %dma_wait3A_152 = arith.constant 0 : i32
      %dma_wait3A_153 = tpu.memref_slice %arg5[%add3A_120, %dma_wait3A_152] : memref<16384x64xf32, #tpu.memory_space<hbm>> -> memref<128x64xf32, #tpu.memory_space<hbm>>
      %dma_wait3A_154 = arith.constant 384 : i32
      %dma_wait3A_155 = arith.constant 0 : i32
      %dma_wait3A_156 = tpu.memref_slice %arg8[%dma_wait3A_154, %dma_wait3A_155] : memref<512x64xf32, #tpu.memory_space<vmem>> -> memref<128x64xf32, #tpu.memory_space<vmem>>
      tpu.wait_dma2 semaphore(%run_scoped3A : memref<!tpu.dma_semaphore, #tpu.memory_space<semaphore_mem>>) src(%dma_wait3A_156 : memref<128x64xf32, #tpu.memory_space<vmem>>) dst(%dma_wait3A_153 : memref<128x64xf32, #tpu.memory_space<hbm>>)
      tpu.yield
    }) : () -> ()
    %dma_wait3A_129 = arith.constant 384 : i32
    %dma_wait3A_130 = arith.constant 0 : i32
    %dma_wait3A_131 = tpu.memref_slice %arg9[%dma_wait3A_129, %dma_wait3A_130] : memref<512x64xf32, #tpu.memory_space<vmem>> -> memref<128x64xf32, #tpu.memory_space<vmem>>
    %dma_wait3A_132 = arith.constant 384 : i32
    %dma_wait3A_133 = tpu.memref_slice %arg7[%dma_wait3A_132] : memref<512xi32, #tpu.memory_space<vmem>> -> memref<128xi32, #tpu.memory_space<vmem>>
    %dma_wait3A_134 = arith.constant 0 : i32
    %dma_wait3A_135 = arith.constant 0 : i32
    %dma_wait3A_136 = tpu.memref_slice %arg3[%dma_wait3A_134, %dma_wait3A_135] : memref<1000000x64xf32, #tpu.memory_space<hbm>> -> memref<1000000x64xf32, #tpu.memory_space<hbm>>
    tpu.wait_indirect_dma semaphore(%arg11 : memref<!tpu.dma_semaphore, #tpu.memory_space<semaphore_mem>>) src(%dma_wait3A_136 : memref<1000000x64xf32, #tpu.memory_space<hbm>>) dst(%dma_wait3A_131 : memref<128x64xf32, #tpu.memory_space<vmem>>)
    "tpu.region"() ({
      %run_scoped3A = tpu.sem_alloc : memref<!tpu.dma_semaphore, #tpu.memory_space<semaphore_mem>>
      %dma_start3A_137 = arith.constant 384 : i32
      %dma_start3A_138 = arith.constant 0 : i32
      %dma_start3A_139 = tpu.memref_slice %arg9[%dma_start3A_137, %dma_start3A_138] : memref<512x64xf32, #tpu.memory_space<vmem>> -> memref<128x64xf32, #tpu.memory_space<vmem>>
      %dma_start3A_140 = arith.constant 0 : i32
      %dma_start3A_141 = tpu.memref_slice %arg6[%add3A_120, %dma_start3A_140] : memref<16384x64xf32, #tpu.memory_space<hbm>> -> memref<128x64xf32, #tpu.memory_space<hbm>>
      %dma_start3A_142 = arith.constant 0 : i32
      %dma_start3A_143 = tpu.memref_slice %arg6[%add3A_120, %dma_start3A_142] : memref<16384x64xf32, #tpu.memory_space<hbm>> -> memref<128x64xf32, #tpu.memory_space<hbm>>
      %dma_start3A_144 = arith.constant 384 : i32
      %dma_start3A_145 = arith.constant 0 : i32
      %dma_start3A_146 = tpu.memref_slice %arg9[%dma_start3A_144, %dma_start3A_145] : memref<512x64xf32, #tpu.memory_space<vmem>> -> memref<128x64xf32, #tpu.memory_space<vmem>>
      tpu.enqueue_dma source(%dma_start3A_146 : memref<128x64xf32, #tpu.memory_space<vmem>>) target(%dma_start3A_143 : memref<128x64xf32, #tpu.memory_space<hbm>>) target_semaphore(%run_scoped3A : memref<!tpu.dma_semaphore, #tpu.memory_space<semaphore_mem>>)
      %dma_wait3A_147 = arith.constant 384 : i32
      %dma_wait3A_148 = arith.constant 0 : i32
      %dma_wait3A_149 = tpu.memref_slice %arg9[%dma_wait3A_147, %dma_wait3A_148] : memref<512x64xf32, #tpu.memory_space<vmem>> -> memref<128x64xf32, #tpu.memory_space<vmem>>
      %dma_wait3A_150 = arith.constant 0 : i32
      %dma_wait3A_151 = tpu.memref_slice %arg6[%add3A_120, %dma_wait3A_150] : memref<16384x64xf32, #tpu.memory_space<hbm>> -> memref<128x64xf32, #tpu.memory_space<hbm>>
      %dma_wait3A_152 = arith.constant 0 : i32
      %dma_wait3A_153 = tpu.memref_slice %arg6[%add3A_120, %dma_wait3A_152] : memref<16384x64xf32, #tpu.memory_space<hbm>> -> memref<128x64xf32, #tpu.memory_space<hbm>>
      %dma_wait3A_154 = arith.constant 384 : i32
      %dma_wait3A_155 = arith.constant 0 : i32
      %dma_wait3A_156 = tpu.memref_slice %arg9[%dma_wait3A_154, %dma_wait3A_155] : memref<512x64xf32, #tpu.memory_space<vmem>> -> memref<128x64xf32, #tpu.memory_space<vmem>>
      tpu.wait_dma2 semaphore(%run_scoped3A : memref<!tpu.dma_semaphore, #tpu.memory_space<semaphore_mem>>) src(%dma_wait3A_156 : memref<128x64xf32, #tpu.memory_space<vmem>>) dst(%dma_wait3A_153 : memref<128x64xf32, #tpu.memory_space<hbm>>)
      tpu.yield
    }) : () -> ()
    return
  }
}

</mosaic_0001>

<sc_bundles>
// kernel: kernel.3.cloned.1.call-start
scs
__scs_entry_jumppad:
0x0: {  	(pc) =	sbr.rel $0x88, $3  }
0x1: {  	(tag) =	ssettag $0x0;
	lr =	simm.s32 $0x1  }
0x2: {  	[smem:$0x3F9E] =	sst lr;
	_ =	strace $0xD0000000  }
0x3: {  	_ = 	snop  }
0x4: {  	_ = 	snop  }
0x5: {  	_ = 	snop  }
0x6: {  	_ = 	snop  }
0x7: {  	_ = 	snop  }
__scs_overlays_trampoline_lowered:
0x8: {  	[smem:$0x3FAD] =	sst s0  }
0x9: {  	[smem:$0x3FAE] =	sst s1  }
0xa: {  	[smem:$0x3FAF] =	sst s2  }
0xb: {  	[smem:$0x3FB0] =	sst s3  }
0xc: {  	[smem:$0x3FB1] =	sst s4  }
0xd: {  	[smem:$0x3FB2] =	sst s5  }
0xe: {  	[smem:$0x3FB3] =	sst s6  }
0xf: {  	[smem:$0x3FB4] =	sst s7  }
0x10: {  	[smem:$0x3FB5] =	sst s8  }
0x11: {  	[smem:$0x3FB6] =	sst s9;
	s0 =	simm.s32 @!p0 $0x0  }
0x12: {  	s1 =	sld [smem:$0x3F9C];
	s0 =	simm.s32 @p0 $0x1  }
0x13: {  	[smem:$0x3FB7] =	sst s0;
	s0 =	simm.s32 @!p1 $0x0  }
0x14: {  	s2 =	sld [smem:$0x3F9B];
	s0 =	simm.s32 @p1 $0x1  }
0x15: {  	[smem:$0x3FB8] =	sst s0;
	s0 =	simm.s32 @!p2 $0x0  }
0x16: {  	s3 =	sld [smem:$0x3FDB];
	s0 =	simm.s32 @p2 $0x1  }
0x17: {  	s4 =	simm.s32 $0x1BF5;
	[smem:$0x3FBA] =	sst s0  }
0x18: {  	s0 =	sld [smem:$0x3F9D];
	_ =	swait.ge [sflag:s4], $0x0  }
0x19: {  	s7 =	sld [smem:$0x3F9E]  }
0x1a: {  	s8 =	sadd.s32 $0xFFFFE003, lr  }
0x1b: {  	s9 =	sadd.s32 $0xFFFFFEF7, lr;
	s5 =	simm.s32 $0xFFFFFFFF;
	p2 =	slt.u32 s8, $0xFFFFF086  }
0x1c: {  	p1 =	slt.u32 s9, $0xF7A;
	s5 =	simm.s32 @!p2 $0x0  }
0x1d: {  	s5 =	simm.s32 @p1 $0x1;
	p0 =	seq.s32 s7, s2  }
0x1e: {  	s7 =	smul.u32 @!p0 $0xF7A, s2;
	p2 =	seq.s32 @!p0 s5, $0x0  }
0x1f: {  	s9 =	smul.u32 $0xF7A, s1;
	s8 =	simm.s32 @!p0 $0x1BF5;
	p2 =	por !p2, p0  }
0x20: {  	[sflag:s8] =	ssyncset.s32 @!p0 $0xFFFFF086;
	s6 =	sadd.s32 @!p0 s3, s7;
	s7 =	simm.s32 @!p0 $0x108  }
0x21: {  	s3 =	sadd.s32 s3, s9;
	s6 =	sadd.s32 @!p0 $0x88, s6;
	s7 =	simm.s32 @p2 $0x1082  }
0x22: {  	[simem:s7], [sflag:s8] =	dma.local @!p0 [hbm:s6], $0xF7A  }
0x23: {  	s9 =	sor.u32 $0xD0000000, s2;
	s6 =	simm.s32 $0x108;
	_ =	swait.ge @!p0 [sflag:s8], $0x0  }
0x24: {  	s3 =	sadd.s32 $0x88, s3;
	s6 =	simm.s32 @!p1 $0x1082;
	[sflag:s4] =	ssyncset.s32 $0xFFFFF086  }
0x25: {  	[simem:s6], [sflag:s4] =	dma.local [hbm:s3], $0xF7A  }
0x26: {  	[smem:$0x3F9E] =	sst s1;
	(tag) =	ssettag s2;
	_ =	strace s9  }
0x27: {  	s1 =	sld [smem:$0x3FAE]  }
0x28: {  	s2 =	sld [smem:$0x3FAF]  }
0x29: {  	s4 =	sld [smem:$0x3FB1]  }
0x2a: {  	p0 =	seq.s32 s5, $0x0;
	s5 =	sld [smem:$0x3FB2]  }
0x2b: {  	s6 =	sld [smem:$0x3FB3]  }
0x2c: {  	s7 =	sld [smem:$0x3FB4]  }
0x2d: {  	s3 =	simm.s32 $0x108;
	s8 =	sld [smem:$0x3FB5]  }
0x2e: {  	s3 =	simm.s32 @!p0 $0x1082;
	s9 =	sld [smem:$0x3FB6]  }
0x2f: {  	lr =	sadd.s32 s0, s3;
	s0 =	sld [smem:$0x3FAD]  }
0x30: {  	s3 =	sld [smem:$0x3FB0]  }
0x31: {  	[smem:$0x3FB9] =	sst s10  }
0x32: {  	s10 =	sld [smem:$0x3FB7];
	_ =	sdelay $0x3  }
0x33: {  	p0 =	seq.s32 s10, $0x1;
	s10 =	sld [smem:$0x3FB9];
	_ =	sdelay $0x3  }
0x34: {  	[smem:$0x3FB9] =	sst s10  }
0x35: {  	s10 =	sld [smem:$0x3FB8];
	_ =	sdelay $0x3  }
0x36: {  	p1 =	seq.s32 s10, $0x1;
	s10 =	sld [smem:$0x3FB9];
	_ =	sdelay $0x3  }
0x37: {  	[smem:$0x3FB9] =	sst s10  }
0x38: {  	s10 =	sld [smem:$0x3FBA]  }
0x39: {  	_ = 	snop;
	(pc) =	sbr.ind lr, $3  }
0x3a: {  	_ = 	snop  }
0x3b: {  	_ = 	snop  }
0x3c: {  	p2 =	seq.s32 s10, $0x1;
	s10 =	sld [smem:$0x3FB9]  }
0x3d: {  	_ =	shalt  }
0x3e: {  	_ =	shalt  }
0x3f: {  	_ =	shalt  }
0x40: {  	_ =	shalt  }
0x41: {  	_ =	shalt  }
0x42: {  	_ =	shalt  }
0x43: {  	_ =	shalt  }
0x44: {  	_ =	shalt  }
0x45: {  	_ =	shalt  }
0x46: {  	_ =	shalt  }
0x47: {  	_ =	shalt  }
0x48: {  	_ =	shalt  }
0x49: {  	_ =	shalt  }
0x4a: {  	_ =	shalt  }
0x4b: {  	_ =	shalt  }
0x4c: {  	_ =	shalt  }
0x4d: {  	_ =	shalt  }
0x4e: {  	_ =	shalt  }
0x4f: {  	_ =	shalt  }
0x50: {  	_ =	shalt  }
0x51: {  	_ =	shalt  }
0x52: {  	_ =	shalt  }
0x53: {  	_ =	shalt  }
0x54: {  	_ =	shalt  }
0x55: {  	_ =	shalt  }
0x56: {  	_ =	shalt  }
0x57: {  	_ =	shalt  }
0x58: {  	_ =	shalt  }
0x59: {  	_ =	shalt  }
0x5a: {  	_ =	shalt  }
0x5b: {  	_ =	shalt  }
0x5c: {  	_ =	shalt  }
0x5d: {  	_ =	shalt  }
0x5e: {  	_ =	shalt  }
0x5f: {  	_ =	shalt  }
0x60: {  	_ =	shalt  }
0x61: {  	_ =	shalt  }
0x62: {  	_ =	shalt  }
0x63: {  	_ =	shalt  }
0x64: {  	_ =	shalt  }
0x65: {  	_ =	shalt  }
0x66: {  	_ =	shalt  }
0x67: {  	_ =	shalt  }
0x68: {  	_ =	shalt  }
0x69: {  	_ =	shalt  }
0x6a: {  	_ =	shalt  }
0x6b: {  	_ =	shalt  }
0x6c: {  	_ =	shalt  }
0x6d: {  	_ =	shalt  }
0x6e: {  	_ =	shalt  }
0x6f: {  	_ =	shalt  }
0x70: {  	_ =	shalt  }
0x71: {  	_ =	shalt  }
0x72: {  	_ =	shalt  }
0x73: {  	_ =	shalt  }
0x74: {  	_ =	shalt  }
0x75: {  	_ =	shalt  }
0x76: {  	_ =	shalt  }
0x77: {  	_ =	shalt  }
0x78: {  	_ =	shalt  }
0x79: {  	_ =	shalt  }
0x7a: {  	_ =	shalt  }
0x7b: {  	_ =	shalt  }
0x7c: {  	_ =	shalt  }
0x7d: {  	_ =	shalt  }
0x7e: {  	_ =	shalt  }
0x7f: {  	_ =	shalt  }
0x80: {  	_ =	shalt  }
0x81: {  	_ =	shalt  }
0x82: {  	_ =	shalt  }
0x83: {  	_ =	shalt  }
0x84: {  	_ =	shalt  }
0x85: {  	_ =	shalt  }
0x86: {  	_ =	shalt  }
0x87: {  	_ =	shalt  }
.Lfunc_end0:
.L_simem_size_0:
called_computation_lowered:
.L_overlay_start_0:
0x88: {  	s2 =	sld [smem:$0x3FD9]  }
0x89: {  	s3 =	sld [smem:$0x3FFE];
	_ =	sdelay $0x1  }
0x8a: {  	s1 =	srdreg.scid  }
0x8b: {  	s0 =	sand.u32 $0x1, s1  }
0x8c: {  	s14 =	sshll.u32 s0, $0xA;
	s2 =	sadd.s32 s3, s2  }
0x8d: {  	s2 =	sadd.s32 s2, s14  }
0x8e: {  	[smem:$0x3FC5] =	sst s2  }
0x8f: {  	_ = 	snop  }
0x90: {  	s2 =	sld [smem:$0x3FD0];
	_ =	sdelay $0x2  }
0x91: {  	s4 =	simm.s32 $0xA;
	s5 =	simm.s32 $0x10;
	s15 =	sld [smem:$0x3FC7]  }
0x92: {  	[smem:s5], [sflag:s4] =	dma.local [hbm:s2], $0x1  }
0x93: {  	_ =	swait.eq [sflag:s4], $0x1  }
0x94: {  	[sflag:s4] =	ssyncset.done $0x0  }
0x95: {  	s16 =	sld [smem:$0x10];
	[sflag:s4] =	ssyncadd.s32 $0xFFFFFFFF  }
0x96: {  	s17 =	sld [smem:$0x11];
	(tm) =	ssettm $0x1  }
0x97: {  	s18 =	sld [smem:$0x3FFB];
	_ =	sdelay $0x3  }
0x98: {  	_ =	strace s18  }
0x99: {  	s5 =	sld [smem:$0x3FFC];
	_ =	sdelay $0x3  }
0x9a: {  	_ =	strace s5  }
0x9b: {  	s5 =	sld [smem:$0x3FFD];
	_ =	sdelay $0x3  }
0x9c: {  	_ =	strace s5  }
0x9d: {  	_ =	strace $0x8FFFFFFF  }
0x9e: {  	s19 =	sld [smem:$0x3FDB];
	_ =	sdelay $0x1  }
0x9f: {  	s6 =	simm.s32 $_scs_section_size  }
0xa0: {  	s7 =	simm.s32 $_size__tile_overlayer_lowered;
	s8 =	simm.s32 $_tile_overlayer_lowered  }
0xa1: {  	s22 =	simm.s32 $0x1BFF;
	s21 =	sshll.u32 s8, $0x1;
	s5 =	sadd.s32 s6, s19  }
0xa2: {  	s9 =	simm.s32 $0x0;
	s20 =	sshll.u32 s7, $0x1;
	s7 =	sadd.s32 s21, s5  }
0xa3: {  	[timem:s9], [sflag:s22] =	dma.local [hbm:s7], s20  }
0xa4: {  	_ =	swait.ge [sflag:s22], s20  }
0xa5: {  	s6 =	ssub.s32 $0x0, s20;
	[sflag:s22] =	ssyncset.done $0x0  }
0xa6: {  	[sflag:s22] =	ssyncadd.s32 s6;
	_ =	sdelay $0x1  }
0xa7: {  	s23 =	simm.s32 $0x1B8B  }
0xa8: {  	_ =	swait.ge [sflag:s23], $0x1  }
0xa9: {  	[sflag:s23] =	ssyncset.done $0x0  }
0xaa: {  	s25 =	simm.s32 $0x1B8E;
	s24 =	sld [smem:$0x3FFE];
	[sflag:s23] =	ssyncadd.s32 $0xFFFFFFFF  }
0xab: {  	s26 =	simm.s32 $execute0_lowered;
	[smem:$0x3FD2] =	sst s25  }
0xac: {  	s7 =	sshll.u32 s26, $0x1;
	_ =	strace $0x80000046;
	[dreg:$0x1] =	wrdreg $0xFFFFFFFF  }
0xad: {  	s28 =	simm.s32 $_size_execute0_lowered;
	s5 =	sadd.s32 s5, s7;
	[dreg:$0x0] =	wrdreg $0x0  }
0xae: {  	s7 =	sshll.u32 s28, $0x1;
	[dreg:$0x2] =	wrdreg s5  }
0xaf: {  	[dreg:$0x3] =	wrdreg s7  }
0xb0: {  	[dreg:$0x4] =	wrdreg $0xC0  }
0xb1: {  	_ =	task [dreg:s9], $0x5FFFF  }
0xb2: {  	[dreg:$0x1] =	wrdreg $0xFFFFFFFF  }
0xb3: {  	[dreg:$0x0] =	wrdreg $0x60  }
0xb4: {  	[dreg:$0x2] =	wrdreg s24  }
0xb5: {  	[dreg:$0x3] =	wrdreg s15  }
0xb6: {  	[dreg:$0x4] =	wrdreg s16  }
0xb7: {  	[dreg:$0x5] =	wrdreg s17  }
0xb8: {  	[dreg:$0x6] =	wrdreg $0x9  }
0xb9: {  	_ =	task.clear_ibuf [dreg:s9], $0x7FFFF;
	_ =	strace $0x90000046  }
0xba: {  	s29 =	simm.s32 $0x9;
	_ =	strace $0x80000048  }
0xbb: {  	_ =	swait.ge [sflag:s29], $0x1  }
0xbc: {  	[sflag:s29] =	ssyncadd.s32 $0xFFFFFFFF  }
0xbd: {  	_ =	strace $0x90000048  }
0xbe: {  	_ =	sfence  }
0xbf: {  	s30 =	sld [smem:$0x0];
	_ =	sdelay $0x2  }
0xc0: {  	s31 =	sshll.u32 s1, $0xD;
	s1 =	sshrl.u32 s1, $0x2  }
0xc1: {  	s3 =	sand.u32 $0x4000, s31;
	s1 =	sadd.s32 s1, s30  }
0xc2: {  	s0 =	sor.u32 s3, s0;
	s1 =	sshll.u32 s1, $0x11  }
0xc3: {  	s0 =	sor.u32 s1, s0  }
0xc4: {  	s0 =	sadd.s32 $0x8F2B, s0  }
0xc5: {  	[sflag:s0] =	ssyncadd.remote.s32 $0x1  }
0xc6: {  	_ =	sfence.sel $0xFFFF  }
0xc7: {  	[dreg:$0x0] =	wrdreg $0xFFFFFFFF;
	(pc) =	sbr.abs _section_cstart, $3  }
0xc8: {  	[dreg:$0x1] =	wrdreg $0xFFFFFFFF  }
0xc9: {  	_ =	task.clear_ibuf [dreg:s9], $0x2FFFF;
	_ =	strace $0x9FFFFFFF  }
0xca: {  	(tm) =	ssettm $0x7FFFFFFF  }
0xcb: {  	_ =	shalt  }
tec
execute0_lowered:
.L_overlay_start_1:
0x0: {  	(tag) =	ssettag $0x1  }
0x1: {  	s8 =	rddreg [dreg:$0x0]  }
0x2: {  	s3 =	rddreg [dreg:$0x1];
	s1 =	srdreg.scid  }
0x3: {  	s26 =	rddreg [dreg:$0x2];
	s0 =	stileid.u32;
	s29 =	sand.u32 $0x1, s1  }
0x4: {  	s28 =	rddreg [dreg:$0x3];
	s4 =	sshll.u32 s0, $0xA;
	s5 =	sshll.u32 s29, $0x9  }
0x5: {  	s2 =	simm.s32 $0x0;
	s1 =	rddreg [dreg:$0x4];
	s19 =	sor.u32 s5, s4  }
0x6: {  	[smem:$0x7FF] =	sst s2;
	s4 =	sshrl.u32 s19, $0x3  }
0x7: {  	_ =	strace $0x80000047;
	s4 =	sadd.s32 s3, s4;
	s3 =	simm.s32 $0x3  }
0x8: {  	[tilespmem:s2], [sflag:$0x3] =	stream.linear.gather [hbm4b:s4+s2], $0x200, $0x38;
	[tilespmem:$0x10200] =	vst v63  }
0x9: {  	_ =	swait.ge [sflag:s3], $0x200  }
0xa: {  	s6 =	simm.s32 $0x80;
	[sflag:s3] =	ssyncset.done $0x0  }
0xb: {  	s7 =	simm.s32 $0x200;
	s5 =	sadd.s32 $0xF42C00, s8;
	[sflag:s3] =	ssyncadd.s32 $0xFFFFFE00  }
0xc: {  	[tilespmem:s7], [sflag:$0x1] =	stream.indirect.gather [hbm4b:s5+s6], $0x40, s2, s6, $0xb8;
	[tilespmem:$0x10200] =	vst v63  }
0xd: {  	s9 =	simm.s32 $0x8200;
	s8 =	sadd.s32 $0x16E3E00, s8  }
0xe: {  	[tilespmem:s9], [sflag:$0x2] =	stream.indirect.gather [hbm4b:s8+s6], $0x40, s2, s6, $0xb8;
	[tilespmem:$0x10200] =	vst v63  }
0xf: {  	s10 =	simm.s32 $0x2200  }
0x10: {  	[tilespmem:s10], [sflag:$0x1] =	stream.indirect.gather [hbm4b:s5+s6], $0x40, s6, s6, $0xb8;
	[tilespmem:$0x10200] =	vst v63  }
0x11: {  	s11 =	simm.s32 $0xA200  }
0x12: {  	[tilespmem:s11], [sflag:$0x2] =	stream.indirect.gather [hbm4b:s8+s6], $0x40, s6, s6, $0xb8;
	[tilespmem:$0x10200] =	vst v63  }
0x13: {  	s12 =	simm.s32 $0x100;
	s13 =	simm.s32 $0x4200  }
0x14: {  	[tilespmem:s13], [sflag:$0x1] =	stream.indirect.gather [hbm4b:s5+s6], $0x40, s12, s6, $0xb8;
	[tilespmem:$0x10200] =	vst v63  }
0x15: {  	s14 =	simm.s32 $0xC200  }
0x16: {  	[tilespmem:s14], [sflag:$0x2] =	stream.indirect.gather [hbm4b:s8+s6], $0x40, s12, s6, $0xb8;
	[tilespmem:$0x10200] =	vst v63  }
0x17: {  	s15 =	simm.s32 $0x180;
	s16 =	simm.s32 $0x6200  }
0x18: {  	[tilespmem:s16], [sflag:$0x1] =	stream.indirect.gather [hbm4b:s5+s6], $0x40, s15, s6, $0xb8;
	[tilespmem:$0x10200] =	vst v63  }
0x19: {  	s17 =	simm.s32 $0xE200;
	s18 =	simm.s32 $0x1  }
0x1a: {  	[tilespmem:s17], [sflag:$0x2] =	stream.indirect.gather [hbm4b:s8+s6], $0x40, s15, s6, $0xb8;
	[tilespmem:$0x10200] =	vst v63  }
0x1b: {  	_ =	swait.ge [sflag:s18], $0x2000  }
0x1c: {  	s30 =	sshll.u32 s19, $0x3;
	[sflag:s18] =	ssyncset.done $0x0  }
0x1d: {  	s19 =	sadd.s32 s26, s30;
	[sflag:s18] =	ssyncadd.s32 $0xFFFFE000  }
0x1e: {  	[hbm4b:s19+s2] =	stream.linear.scatter [tilespmem:s7], [sflag:$0x3], $0x2000, $0x38;
	[tilespmem:$0x10200] =	vst v63  }
0x1f: {  	_ =	swait.ge [sflag:s3], $0x2000  }
0x20: {  	[sflag:s3] =	ssyncset.done $0x0  }
0x21: {  	s20 =	simm.s32 $0x2;
	[sflag:s3] =	ssyncadd.s32 $0xFFFFE000  }
0x22: {  	_ =	swait.ge [sflag:s20], $0x2000  }
0x23: {  	[sflag:s20] =	ssyncset.done $0x0  }
0x24: {  	s21 =	sadd.s32 s28, s30;
	[sflag:s20] =	ssyncadd.s32 $0xFFFFE000  }
0x25: {  	[hbm4b:s21+s2] =	stream.linear.scatter [tilespmem:s9], [sflag:$0x3], $0x2000, $0x38;
	[tilespmem:$0x10200] =	vst v63  }
0x26: {  	_ =	swait.ge [sflag:s3], $0x2000  }
0x27: {  	[sflag:s3] =	ssyncset.done $0x0  }
0x28: {  	[sflag:s3] =	ssyncadd.s32 $0xFFFFE000  }
0x29: {  	_ =	swait.ge [sflag:s18], $0x2000  }
0x2a: {  	s23 =	sor.u32 $0x400, s30;
	[sflag:s18] =	ssyncset.done $0x0  }
0x2b: {  	s22 =	sadd.s32 s26, s23;
	[sflag:s18] =	ssyncadd.s32 $0xFFFFE000  }
0x2c: {  	[hbm4b:s22+s2] =	stream.linear.scatter [tilespmem:s10], [sflag:$0x3], $0x2000, $0x38;
	[tilespmem:$0x10200] =	vst v63  }
0x2d: {  	_ =	swait.ge [sflag:s3], $0x2000  }
0x2e: {  	[sflag:s3] =	ssyncset.done $0x0  }
0x2f: {  	[sflag:s3] =	ssyncadd.s32 $0xFFFFE000  }
0x30: {  	_ =	swait.ge [sflag:s20], $0x2000  }
0x31: {  	[sflag:s20] =	ssyncset.done $0x0  }
0x32: {  	s23 =	sadd.s32 s28, s23;
	[sflag:s20] =	ssyncadd.s32 $0xFFFFE000  }
0x33: {  	[hbm4b:s23+s2] =	stream.linear.scatter [tilespmem:s11], [sflag:$0x3], $0x2000, $0x38;
	[tilespmem:$0x10200] =	vst v63  }
0x34: {  	_ =	swait.ge [sflag:s3], $0x2000  }
0x35: {  	[sflag:s3] =	ssyncset.done $0x0  }
0x36: {  	[sflag:s3] =	ssyncadd.s32 $0xFFFFE000  }
0x37: {  	_ =	swait.ge [sflag:s18], $0x2000  }
0x38: {  	s25 =	sor.u32 $0x800, s30;
	[sflag:s18] =	ssyncset.done $0x0  }
0x39: {  	s24 =	sadd.s32 s26, s25;
	[sflag:s18] =	ssyncadd.s32 $0xFFFFE000  }
0x3a: {  	[hbm4b:s24+s2] =	stream.linear.scatter [tilespmem:s13], [sflag:$0x3], $0x2000, $0x38;
	[tilespmem:$0x10200] =	vst v63  }
0x3b: {  	_ =	swait.ge [sflag:s3], $0x2000  }
0x3c: {  	[sflag:s3] =	ssyncset.done $0x0  }
0x3d: {  	[sflag:s3] =	ssyncadd.s32 $0xFFFFE000  }
0x3e: {  	_ =	swait.ge [sflag:s20], $0x2000  }
0x3f: {  	[sflag:s20] =	ssyncset.done $0x0  }
0x40: {  	s25 =	sadd.s32 s28, s25;
	[sflag:s20] =	ssyncadd.s32 $0xFFFFE000  }
0x41: {  	[hbm4b:s25+s2] =	stream.linear.scatter [tilespmem:s14], [sflag:$0x3], $0x2000, $0x38;
	[tilespmem:$0x10200] =	vst v63  }
0x42: {  	_ =	swait.ge [sflag:s3], $0x2000  }
0x43: {  	[sflag:s3] =	ssyncset.done $0x0  }
0x44: {  	[sflag:s3] =	ssyncadd.s32 $0xFFFFE000  }
0x45: {  	_ =	swait.ge [sflag:s18], $0x2000  }
0x46: {  	s30 =	sor.u32 $0xC00, s30;
	[sflag:s18] =	ssyncset.done $0x0  }
0x47: {  	s29 =	ssub.s32 $0x2, s29;
	s26 =	sadd.s32 s26, s30;
	[sflag:s18] =	ssyncadd.s32 $0xFFFFE000  }
0x48: {  	[hbm4b:s26+s2] =	stream.linear.scatter [tilespmem:s16], [sflag:$0x3], $0x2000, $0x38;
	[tilespmem:$0x10200] =	vst v63  }
0x49: {  	s31 =	sshrl.u32 s29, $0x1;
	_ =	swait.ge [sflag:s3], $0x2000  }
0x4a: {  	s29 =	ssub.s32 s29, s31;
	[sflag:s3] =	ssyncset.done $0x0  }
0x4b: {  	s29 =	smax.u32 s29, $0x1;
	[sflag:s3] =	ssyncadd.s32 $0xFFFFE000  }
0x4c: {  	p0 =	sne.s32 s29, $0x1;
	_ =	swait.ge [sflag:s20], $0x2000  }
.Ltmp0:
0x4d: {  	[sflag:s20] =	ssyncset.done $0x0;
	(pc) =	sbr.rel @!p0 .LBB2_2-.Ltmp0, $4  }
0x4e: {  	s28 =	sadd.s32 s28, s30;
	[sflag:s20] =	ssyncadd.s32 $0xFFFFE000  }
0x4f: {  	[hbm4b:s28+s2] =	stream.linear.scatter [tilespmem:s17], [sflag:$0x3], $0x2000, $0x38;
	[tilespmem:$0x10200] =	vst v63  }
0x50: {  	_ =	swait.ge [sflag:s3], $0x2000  }
0x51: {  	s29 =	sadd.s32 $0xFFFFFFFF, s29;
	[sflag:s3] =	ssyncset.done $0x0  }
.LBB2_1:
0x52: {  	p0 =	sne.s32 s29, $0x1;
	s29 =	sadd.s32 $0xFFFFFFFF, s29;
	[sflag:s3] =	ssyncadd.s32 $0xFFFFE000  }
0x53: {  	[tilespmem:s2], [sflag:$0x3] =	stream.linear.gather [hbm4b:s4+s2], $0x200, $0x38;
	[tilespmem:$0x10200] =	vst v63  }
0x54: {  	_ =	swait.ge [sflag:s3], $0x200  }
0x55: {  	[sflag:s3] =	ssyncset.done $0x0  }
0x56: {  	[sflag:s3] =	ssyncadd.s32 $0xFFFFFE00  }
0x57: {  	[tilespmem:s7], [sflag:$0x1] =	stream.indirect.gather [hbm4b:s5+s6], $0x40, s2, s6, $0xb8;
	[tilespmem:$0x10200] =	vst v63  }
0x58: {  	_ = 	snop  }
0x59: {  	[tilespmem:s9], [sflag:$0x2] =	stream.indirect.gather [hbm4b:s8+s6], $0x40, s2, s6, $0xb8;
	[tilespmem:$0x10200] =	vst v63  }
0x5a: {  	_ = 	snop  }
0x5b: {  	[tilespmem:s10], [sflag:$0x1] =	stream.indirect.gather [hbm4b:s5+s6], $0x40, s6, s6, $0xb8;
	[tilespmem:$0x10200] =	vst v63  }
0x5c: {  	_ = 	snop  }
0x5d: {  	[tilespmem:s11], [sflag:$0x2] =	stream.indirect.gather [hbm4b:s8+s6], $0x40, s6, s6, $0xb8;
	[tilespmem:$0x10200] =	vst v63  }
0x5e: {  	_ = 	snop  }
0x5f: {  	[tilespmem:s13], [sflag:$0x1] =	stream.indirect.gather [hbm4b:s5+s6], $0x40, s12, s6, $0xb8;
	[tilespmem:$0x10200] =	vst v63  }
0x60: {  	_ = 	snop  }
0x61: {  	[tilespmem:s14], [sflag:$0x2] =	stream.indirect.gather [hbm4b:s8+s6], $0x40, s12, s6, $0xb8;
	[tilespmem:$0x10200] =	vst v63  }
0x62: {  	_ = 	snop  }
0x63: {  	[tilespmem:s16], [sflag:$0x1] =	stream.indirect.gather [hbm4b:s5+s6], $0x40, s15, s6, $0xb8;
	[tilespmem:$0x10200] =	vst v63  }
0x64: {  	_ = 	snop  }
0x65: {  	[tilespmem:s17], [sflag:$0x2] =	stream.indirect.gather [hbm4b:s8+s6], $0x40, s15, s6, $0xb8;
	[tilespmem:$0x10200] =	vst v63  }
0x66: {  	_ =	swait.ge [sflag:s18], $0x2000  }
0x67: {  	[sflag:s18] =	ssyncset.done $0x0  }
0x68: {  	[sflag:s18] =	ssyncadd.s32 $0xFFFFE000  }
0x69: {  	[hbm4b:s19+s2] =	stream.linear.scatter [tilespmem:s7], [sflag:$0x3], $0x2000, $0x38;
	[tilespmem:$0x10200] =	vst v63  }
0x6a: {  	_ =	swait.ge [sflag:s3], $0x2000  }
0x6b: {  	[sflag:s3] =	ssyncset.done $0x0  }
0x6c: {  	[sflag:s3] =	ssyncadd.s32 $0xFFFFE000  }
0x6d: {  	_ =	swait.ge [sflag:s20], $0x2000  }
0x6e: {  	[sflag:s20] =	ssyncset.done $0x0  }
0x6f: {  	[sflag:s20] =	ssyncadd.s32 $0xFFFFE000  }
0x70: {  	[hbm4b:s21+s2] =	stream.linear.scatter [tilespmem:s9], [sflag:$0x3], $0x2000, $0x38;
	[tilespmem:$0x10200] =	vst v63  }
0x71: {  	_ =	swait.ge [sflag:s3], $0x2000  }
0x72: {  	[sflag:s3] =	ssyncset.done $0x0  }
0x73: {  	[sflag:s3] =	ssyncadd.s32 $0xFFFFE000  }
0x74: {  	_ =	swait.ge [sflag:s18], $0x2000  }
0x75: {  	[sflag:s18] =	ssyncset.done $0x0  }
0x76: {  	[sflag:s18] =	ssyncadd.s32 $0xFFFFE000  }
0x77: {  	[hbm4b:s22+s2] =	stream.linear.scatter [tilespmem:s10], [sflag:$0x3], $0x2000, $0x38;
	[tilespmem:$0x10200] =	vst v63  }
0x78: {  	_ =	swait.ge [sflag:s3], $0x2000  }
0x79: {  	[sflag:s3] =	ssyncset.done $0x0  }
0x7a: {  	[sflag:s3] =	ssyncadd.s32 $0xFFFFE000  }
0x7b: {  	_ =	swait.ge [sflag:s20], $0x2000  }
0x7c: {  	[sflag:s20] =	ssyncset.done $0x0  }
0x7d: {  	[sflag:s20] =	ssyncadd.s32 $0xFFFFE000  }
0x7e: {  	[hbm4b:s23+s2] =	stream.linear.scatter [tilespmem:s11], [sflag:$0x3], $0x2000, $0x38;
	[tilespmem:$0x10200] =	vst v63  }
0x7f: {  	_ =	swait.ge [sflag:s3], $0x2000  }
0x80: {  	[sflag:s3] =	ssyncset.done $0x0  }
0x81: {  	[sflag:s3] =	ssyncadd.s32 $0xFFFFE000  }
0x82: {  	_ =	swait.ge [sflag:s18], $0x2000  }
0x83: {  	[sflag:s18] =	ssyncset.done $0x0  }
0x84: {  	[sflag:s18] =	ssyncadd.s32 $0xFFFFE000  }
0x85: {  	[hbm4b:s24+s2] =	stream.linear.scatter [tilespmem:s13], [sflag:$0x3], $0x2000, $0x38;
	[tilespmem:$0x10200] =	vst v63  }
0x86: {  	_ =	swait.ge [sflag:s3], $0x2000  }
0x87: {  	[sflag:s3] =	ssyncset.done $0x0  }
0x88: {  	[sflag:s3] =	ssyncadd.s32 $0xFFFFE000  }
0x89: {  	_ =	swait.ge [sflag:s20], $0x2000  }
0x8a: {  	[sflag:s20] =	ssyncset.done $0x0  }
0x8b: {  	[sflag:s20] =	ssyncadd.s32 $0xFFFFE000  }
0x8c: {  	[hbm4b:s25+s2] =	stream.linear.scatter [tilespmem:s14], [sflag:$0x3], $0x2000, $0x38;
	[tilespmem:$0x10200] =	vst v63  }
0x8d: {  	_ =	swait.ge [sflag:s3], $0x2000  }
0x8e: {  	[sflag:s3] =	ssyncset.done $0x0  }
0x8f: {  	[sflag:s3] =	ssyncadd.s32 $0xFFFFE000  }
0x90: {  	_ =	swait.ge [sflag:s18], $0x2000  }
0x91: {  	[sflag:s18] =	ssyncset.done $0x0  }
0x92: {  	[sflag:s18] =	ssyncadd.s32 $0xFFFFE000  }
0x93: {  	[hbm4b:s26+s2] =	stream.linear.scatter [tilespmem:s16], [sflag:$0x3], $0x2000, $0x38;
	[tilespmem:$0x10200] =	vst v63  }
0x94: {  	_ =	swait.ge [sflag:s3], $0x2000  }
0x95: {  	[sflag:s3] =	ssyncset.done $0x0  }
0x96: {  	[sflag:s3] =	ssyncadd.s32 $0xFFFFE000  }
0x97: {  	_ =	swait.ge [sflag:s20], $0x2000  }
.Ltmp1:
0x98: {  	[sflag:s20] =	ssyncset.done $0x0;
	(pc) =	sbr.rel @p0 .LBB2_1-.Ltmp1, $4  }
0x99: {  	[sflag:s20] =	ssyncadd.s32 $0xFFFFE000  }
0x9a: {  	[hbm4b:s28+s2] =	stream.linear.scatter [tilespmem:s17], [sflag:$0x3], $0x2000, $0x38;
	[tilespmem:$0x10200] =	vst v63  }
0x9b: {  	_ =	swait.ge [sflag:s3], $0x2000  }
0x9c: {  	[sflag:s3] =	ssyncset.done $0x0  }
.LBB2_2:
0x9d: {  	[sflag:s3] =	ssyncadd.s32 $0xFFFFE000  }
0x9e: {  	_ =	sfence.sel $0x180000  }
0x9f: {  	[bflag:$0x0] =	sbarrier.arrive $0xFFFF  }
0xa0: {  	p0 =	sne.s32 s0, $0x0;
	_ =	strace $0x90000047  }
0xa1: {  	s0 =	sadd.s32 @!p0 $0x100000, s1;
	[bflag:$0x2] =	sbarrier.arrive $0xFFFF  }
0xa2: {  	[sflag:s0] =	ssyncadd.tile.s32 @!p0 $0x1;
	_ =	shalt  }
.Lfunc_end2:
_tile_overlayer_lowered:
.L_overlay_start_2:
0xa3: {  	(tag) =	ssettag $0x2  }
0xa4: {  	s0 =	rddreg [dreg:$0x0];
	s2 =	stileid.u32  }
0xa5: {  	s1 =	rddreg [dreg:$0x1];
	p0 =	sne.s32 s2, $0x0  }
0xa6: {  	s3 =	rddreg [dreg:$0x2];
	[bflag:$0x3] =	sbarrier.arrive $0xFFFF;
	s2 =	simm.s32 @!p0 $0x1C03  }
0xa7: {  	[timem:s3], [sflag:s2] =	dma.local @!p0 [hbm:s0], s1  }
0xa8: {  	s0 =	simm.s32 @!p0 $0x3  }
0xa9: {  	_ =	swait.ge @!p0 [sflag:s0], s1  }
0xaa: {  	s1 =	ssub.s32 @!p0 $0x0, s1;
	[sflag:s0] =	ssyncset.done @!p0 $0x0  }
0xab: {  	[sflag:s0] =	ssyncadd.s32 @!p0 s1  }
0xac: {  	[bflag:$0x3] =	sbarrier.arrive $0xFFFF  }
0xad: {  	_ =	shalt  }

</sc_bundles>
